<compile_context>
chip_gen: v7x
topology: tpu7x:2x2x1
jax: 0.10.2.dev20260603
libtpu: 0.0.44.dev20260713+nightly
codegen_flags: <defaults>
</compile_context>

<pallas_src>
import functools

import jax
import jax.numpy as jnp
from jax import lax
from jax.experimental import pallas as pl
from jax.experimental.pallas import tpu as pltpu
from jax.experimental.pallas import tpu_sc as plsc

N_CODES = 8192
DIM = 64
EPS = 1e-12

BLK = 1024
ARGMIN_WIN = 2736


def _l2_normalize(x, axis=-1):
    n = jnp.linalg.norm(x, axis=axis, keepdims=True)
    return x / jnp.maximum(n, EPS)


def _dist_argmin_body(z_ref, emb_ref, zsq_ref, esq_ref, idx_ref):
    zn = z_ref[...]
    s = lax.dot_general(
        zn.astype(jnp.bfloat16), emb_ref[...].astype(jnp.bfloat16),
        dimension_numbers=(((1,), (1,)), ((), ())),
        preferred_element_type=jnp.float32,
    )
    d = (zsq_ref[...] + esq_ref[...]) - 2.0 * s
    cols = lax.broadcasted_iota(jnp.int32, d.shape, 1)
    acc_v = jnp.full((BLK,), jnp.inf, jnp.float32)
    acc_i = jnp.zeros((BLK,), jnp.int32)
    for lo in range(0, N_CODES, ARGMIN_WIN):
        hi = min(lo + ARGMIN_WIN, N_CODES)
        dw = d[:, lo:hi]
        mw = jnp.min(dw, axis=1, keepdims=True)
        iw = jnp.min(jnp.where(dw == mw, cols[:, lo:hi], jnp.int32(2**30)), axis=1)
        mv = mw[:, 0]
        take = mv < acc_v
        acc_v = jnp.where(take, mv.astype(jnp.bfloat16).astype(jnp.float32), acc_v)
        acc_i = jnp.where(take, iw, acc_i)
    idx_ref[...] = acc_i


def _dist_argmin(z_flat, emb_n, z_sq, emb_sq):
    n_rows = z_flat.shape[0]
    return pl.pallas_call(
        _dist_argmin_body,
        grid=(n_rows // BLK,),
        in_specs=[
            pl.BlockSpec((BLK, DIM), lambda i: (i, 0)),
            pl.BlockSpec((N_CODES, DIM), lambda i: (0, 0)),
            pl.BlockSpec((BLK, 1), lambda i: (i, 0)),
            pl.BlockSpec((1, N_CODES), lambda i: (0, 0)),
        ],
        out_specs=pl.BlockSpec((BLK,), lambda i: (i,)),
        out_shape=jax.ShapeDtypeStruct((n_rows,), jnp.int32),
    )(z_flat, emb_n, z_sq, emb_sq)


def _make_sc_gather(n_rows):
    info = plsc.get_sparse_core_info()
    nc, ns = info.num_cores, info.num_subcores
    nw = nc * ns
    assert n_rows % nw == 0
    per_w = n_rows // nw
    n_chunks = -(-per_w // 128)
    while per_w % n_chunks or (per_w // n_chunks) % 8:
        n_chunks += 1
    chunk = per_w // n_chunks
    mesh = plsc.VectorSubcoreMesh(core_axis_name="c", subcore_axis_name="s")

    @functools.partial(
        pl.kernel,
        mesh=mesh,
        out_type=jax.ShapeDtypeStruct((n_rows, DIM), jnp.float32),
        scratch_types=[
            pltpu.VMEM((per_w,), jnp.int32),
            pltpu.VMEM((per_w, DIM), jnp.float32),
            pltpu.SemaphoreType.DMA,
        ],
        compiler_params=pltpu.CompilerParams(use_tc_tiling_on_sc=False),
    )
    def gather(table_hbm, idx_hbm, out_hbm, idx_v, rows_v, sem):
        wid = lax.axis_index("s") * nc + lax.axis_index("c")
        base = wid * per_w
        pltpu.sync_copy(idx_hbm.at[pl.ds(base, per_w)], idx_v)
        copies = [
            pltpu.async_copy(
                table_hbm.at[idx_v.at[pl.ds(k * chunk, chunk)]],
                rows_v.at[pl.ds(k * chunk, chunk), :],
                sem,
            )
            for k in range(n_chunks)
        ]
        for c in copies:
            c.wait()
        pltpu.sync_copy(rows_v, out_hbm.at[pl.ds(base, per_w)])

    return gather


def kernel(z, embedding_weight):
    b, c, h, w = z.shape
    zt = jnp.transpose(z, (0, 2, 3, 1))
    zt = _l2_normalize(zt, axis=-1)
    z_flat = zt.reshape(-1, c)
    emb_n = _l2_normalize(embedding_weight, axis=-1)
    z_sq = jnp.sum(z_flat ** 2, axis=1, keepdims=True)
    emb_sq = jnp.sum(emb_n ** 2, axis=1).reshape(1, -1)
    idx = _dist_argmin(z_flat, emb_n, z_sq, emb_sq)
    z_q = _make_sc_gather(z_flat.shape[0])(emb_n, idx)
    z_q = jnp.transpose(z_q.reshape(b, h, w, c), (0, 3, 1, 2))
    return z_q, idx

# --- scband reference (transcript-rebuilt; emitter-appended) ---
"""Pipeline reference for scband-vector-quantizer-22162031247762 (READ-ONLY COPY).

The authoritative reference and input builder live on the scoring server;
editing this copy changes nothing except your own understanding.
"""

import jax, jax.numpy as jnp
import numpy as np

N_E = 8192
E_DIM = 64
B, C, H, W = 16, 64, 24, 24

def l2_normalize(x, axis=-1, eps=1e-12):
    # matches torch F.normalize(p=2): x / max(||x||, eps)
    n = jnp.linalg.norm(x, axis=axis, keepdims=True)
    return x / jnp.maximum(n, eps)

def setup_inputs(seed: int = 0) -> dict:
    key = jax.random.key(seed)
    k1, k2 = jax.random.split(key)
    z = jax.random.normal(k1, (B, C, H, W), dtype=jnp.float32)
    # embedding init: uniform(-1/n_e, 1/n_e), then l2-normalized (l2_norm=True in __init__)
    emb = jax.random.uniform(k2, (N_E, E_DIM), minval=-1.0 / N_E, maxval=1.0 / N_E, dtype=jnp.float32)
    emb = l2_normalize(emb, axis=-1)
    return {"z": z, "embedding_weight": emb}

def reference(z, embedding_weight):
    # eval-mode forward of VectorQuantizer(n_e=8192, e_dim=64, beta=0.25,
    # entropy_loss_ratio=0.0, l2_norm=True, show_usage=False)
    # b c h w -> b h w c
    zt = jnp.transpose(z, (0, 2, 3, 1))
    # l2_norm branch
    zt = l2_normalize(zt, axis=-1)
    z_flattened = zt.reshape(-1, E_DIM)
    embedding = l2_normalize(embedding_weight, axis=-1)
    # squared euclidean distances: ||z||^2 + ||e||^2 - 2 z e^T
    d = (jnp.sum(z_flattened ** 2, axis=1, keepdims=True)
         + jnp.sum(embedding ** 2, axis=1)
         - 2.0 * jnp.einsum('bd,dn->bn', z_flattened, embedding.T))
    min_encoding_indices = jnp.argmin(d, axis=1)
    z_q = jnp.take(embedding, min_encoding_indices, axis=0).reshape(zt.shape)
    # straight-through estimator
    z_q = zt + jax.lax.stop_gradient(z_q - zt)
    # b h w c -> b c h w
    z_q = jnp.transpose(z_q, (0, 3, 1, 2))
    return z_q, min_encoding_indices

if __name__ == "__main__":
    import jax
    _d = setup_inputs()
    print(jax.jit(kernel)(*tuple(_d.values())))

</pallas_src>

<mosaic_0001>
#map = affine_map<(d0, d1) -> (0, 0)>
#map1 = affine_map<(d0, d1) -> (0)>
module attributes {stable_mosaic.version = 14 : i64} {
  func.func @gather(%arg0: i32, %arg1: i32, %arg2: memref<8192x64xf32, #tpu.memory_space<hbm>>, %arg3: memref<9216xi32, #tpu.memory_space<hbm>>, %arg4: memref<9216x64xf32, #tpu.memory_space<hbm>>, %arg5: memref<288xi32, #tpu.memory_space<vmem>>, %arg6: memref<288x64xf32, #tpu.memory_space<vmem>>, %arg7: memref<!tpu.dma_semaphore, #tpu.memory_space<semaphore_mem>>) attributes {dimension_semantics = [#tpu.dimension_semantics<core_parallel>, #tpu.dimension_semantics<subcore_parallel>], iteration_bounds = array<i64: 2, 16>, scalar_prefetch = 0 : i64, scratch_operands = 3 : i64, tpu.core_type = #tpu.core_type<sc_vector_subcore>, window_params = [{transform_indices = #map}, {transform_indices = #map1}, {transform_indices = #map}]} {
    %mul3A = arith.constant 2 : i32
    %mul3A_0 = arith.muli %arg1, %mul3A : i32
    %add3A = arith.addi %mul3A_0, %arg0 : i32
    %mul3A_1 = arith.constant 288 : i32
    %mul3A_2 = arith.muli %add3A, %mul3A_1 : i32
    "tpu.region"() ({
      %run_scoped3A = tpu.sem_alloc : memref<!tpu.dma_semaphore, #tpu.memory_space<semaphore_mem>>
      %dma_start3A_49 = tpu.memref_slice %arg3[%mul3A_2] : memref<9216xi32, #tpu.memory_space<hbm>> -> memref<288xi32, #tpu.memory_space<hbm>>
      %dma_start3A_50 = tpu.memref_slice %arg3[%mul3A_2] : memref<9216xi32, #tpu.memory_space<hbm>> -> memref<288xi32, #tpu.memory_space<hbm>>
      tpu.enqueue_dma source(%dma_start3A_50 : memref<288xi32, #tpu.memory_space<hbm>>) target(%arg5 : memref<288xi32, #tpu.memory_space<vmem>>) target_semaphore(%run_scoped3A : memref<!tpu.dma_semaphore, #tpu.memory_space<semaphore_mem>>)
      %dma_wait3A_51 = tpu.memref_slice %arg3[%mul3A_2] : memref<9216xi32, #tpu.memory_space<hbm>> -> memref<288xi32, #tpu.memory_space<hbm>>
      %dma_wait3A_52 = tpu.memref_slice %arg3[%mul3A_2] : memref<9216xi32, #tpu.memory_space<hbm>> -> memref<288xi32, #tpu.memory_space<hbm>>
      tpu.wait_dma2 semaphore(%run_scoped3A : memref<!tpu.dma_semaphore, #tpu.memory_space<semaphore_mem>>) src(%dma_wait3A_52 : memref<288xi32, #tpu.memory_space<hbm>>) dst(%arg5 : memref<288xi32, #tpu.memory_space<vmem>>)
      tpu.yield
    }) : () -> ()
    %dma_start3A = arith.constant 0 : i32
    %dma_start3A_3 = arith.constant 0 : i32
    %dma_start3A_4 = tpu.memref_slice %arg6[%dma_start3A, %dma_start3A_3] : memref<288x64xf32, #tpu.memory_space<vmem>> -> memref<96x64xf32, #tpu.memory_space<vmem>>
    %dma_start3A_5 = arith.constant 0 : i32
    %dma_start3A_6 = tpu.memref_slice %arg5[%dma_start3A_5] : memref<288xi32, #tpu.memory_space<vmem>> -> memref<96xi32, #tpu.memory_space<vmem>>
    %dma_start3A_7 = arith.constant 0 : i32
    %dma_start3A_8 = arith.constant 0 : i32
    %dma_start3A_9 = tpu.memref_slice %arg2[%dma_start3A_7, %dma_start3A_8] : memref<8192x64xf32, #tpu.memory_space<hbm>> -> memref<8192x64xf32, #tpu.memory_space<hbm>>
    tpu.enqueue_indirect_dma source(%dma_start3A_9 : memref<8192x64xf32, #tpu.memory_space<hbm>>) target(%dma_start3A_4 : memref<96x64xf32, #tpu.memory_space<vmem>>) offsets(%dma_start3A_6 : memref<96xi32, #tpu.memory_space<vmem>>) semaphore(%arg7 : memref<!tpu.dma_semaphore, #tpu.memory_space<semaphore_mem>>)
    %dma_start3A_10 = arith.constant 96 : i32
    %dma_start3A_11 = arith.constant 0 : i32
    %dma_start3A_12 = tpu.memref_slice %arg6[%dma_start3A_10, %dma_start3A_11] : memref<288x64xf32, #tpu.memory_space<vmem>> -> memref<96x64xf32, #tpu.memory_space<vmem>>
    %dma_start3A_13 = arith.constant 96 : i32
    %dma_start3A_14 = tpu.memref_slice %arg5[%dma_start3A_13] : memref<288xi32, #tpu.memory_space<vmem>> -> memref<96xi32, #tpu.memory_space<vmem>>
    %dma_start3A_15 = arith.constant 0 : i32
    %dma_start3A_16 = arith.constant 0 : i32
    %dma_start3A_17 = tpu.memref_slice %arg2[%dma_start3A_15, %dma_start3A_16] : memref<8192x64xf32, #tpu.memory_space<hbm>> -> memref<8192x64xf32, #tpu.memory_space<hbm>>
    tpu.enqueue_indirect_dma source(%dma_start3A_17 : memref<8192x64xf32, #tpu.memory_space<hbm>>) target(%dma_start3A_12 : memref<96x64xf32, #tpu.memory_space<vmem>>) offsets(%dma_start3A_14 : memref<96xi32, #tpu.memory_space<vmem>>) semaphore(%arg7 : memref<!tpu.dma_semaphore, #tpu.memory_space<semaphore_mem>>)
    %dma_start3A_18 = arith.constant 192 : i32
    %dma_start3A_19 = arith.constant 0 : i32
    %dma_start3A_20 = tpu.memref_slice %arg6[%dma_start3A_18, %dma_start3A_19] : memref<288x64xf32, #tpu.memory_space<vmem>> -> memref<96x64xf32, #tpu.memory_space<vmem>>
    %dma_start3A_21 = arith.constant 192 : i32
    %dma_start3A_22 = tpu.memref_slice %arg5[%dma_start3A_21] : memref<288xi32, #tpu.memory_space<vmem>> -> memref<96xi32, #tpu.memory_space<vmem>>
    %dma_start3A_23 = arith.constant 0 : i32
    %dma_start3A_24 = arith.constant 0 : i32
    %dma_start3A_25 = tpu.memref_slice %arg2[%dma_start3A_23, %dma_start3A_24] : memref<8192x64xf32, #tpu.memory_space<hbm>> -> memref<8192x64xf32, #tpu.memory_space<hbm>>
    tpu.enqueue_indirect_dma source(%dma_start3A_25 : memref<8192x64xf32, #tpu.memory_space<hbm>>) target(%dma_start3A_20 : memref<96x64xf32, #tpu.memory_space<vmem>>) offsets(%dma_start3A_22 : memref<96xi32, #tpu.memory_space<vmem>>) semaphore(%arg7 : memref<!tpu.dma_semaphore, #tpu.memory_space<semaphore_mem>>)
    %dma_wait3A = arith.constant 0 : i32
    %dma_wait3A_26 = arith.constant 0 : i32
    %dma_wait3A_27 = tpu.memref_slice %arg6[%dma_wait3A, %dma_wait3A_26] : memref<288x64xf32, #tpu.memory_space<vmem>> -> memref<96x64xf32, #tpu.memory_space<vmem>>
    %dma_wait3A_28 = arith.constant 0 : i32
    %dma_wait3A_29 = tpu.memref_slice %arg5[%dma_wait3A_28] : memref<288xi32, #tpu.memory_space<vmem>> -> memref<96xi32, #tpu.memory_space<vmem>>
    %dma_wait3A_30 = arith.constant 0 : i32
    %dma_wait3A_31 = arith.constant 0 : i32
    %dma_wait3A_32 = tpu.memref_slice %arg2[%dma_wait3A_30, %dma_wait3A_31] : memref<8192x64xf32, #tpu.memory_space<hbm>> -> memref<8192x64xf32, #tpu.memory_space<hbm>>
    tpu.wait_indirect_dma semaphore(%arg7 : memref<!tpu.dma_semaphore, #tpu.memory_space<semaphore_mem>>) src(%dma_wait3A_32 : memref<8192x64xf32, #tpu.memory_space<hbm>>) dst(%dma_wait3A_27 : memref<96x64xf32, #tpu.memory_space<vmem>>)
    %dma_wait3A_33 = arith.constant 96 : i32
    %dma_wait3A_34 = arith.constant 0 : i32
    %dma_wait3A_35 = tpu.memref_slice %arg6[%dma_wait3A_33, %dma_wait3A_34] : memref<288x64xf32, #tpu.memory_space<vmem>> -> memref<96x64xf32, #tpu.memory_space<vmem>>
    %dma_wait3A_36 = arith.constant 96 : i32
    %dma_wait3A_37 = tpu.memref_slice %arg5[%dma_wait3A_36] : memref<288xi32, #tpu.memory_space<vmem>> -> memref<96xi32, #tpu.memory_space<vmem>>
    %dma_wait3A_38 = arith.constant 0 : i32
    %dma_wait3A_39 = arith.constant 0 : i32
    %dma_wait3A_40 = tpu.memref_slice %arg2[%dma_wait3A_38, %dma_wait3A_39] : memref<8192x64xf32, #tpu.memory_space<hbm>> -> memref<8192x64xf32, #tpu.memory_space<hbm>>
    tpu.wait_indirect_dma semaphore(%arg7 : memref<!tpu.dma_semaphore, #tpu.memory_space<semaphore_mem>>) src(%dma_wait3A_40 : memref<8192x64xf32, #tpu.memory_space<hbm>>) dst(%dma_wait3A_35 : memref<96x64xf32, #tpu.memory_space<vmem>>)
    %dma_wait3A_41 = arith.constant 192 : i32
    %dma_wait3A_42 = arith.constant 0 : i32
    %dma_wait3A_43 = tpu.memref_slice %arg6[%dma_wait3A_41, %dma_wait3A_42] : memref<288x64xf32, #tpu.memory_space<vmem>> -> memref<96x64xf32, #tpu.memory_space<vmem>>
    %dma_wait3A_44 = arith.constant 192 : i32
    %dma_wait3A_45 = tpu.memref_slice %arg5[%dma_wait3A_44] : memref<288xi32, #tpu.memory_space<vmem>> -> memref<96xi32, #tpu.memory_space<vmem>>
    %dma_wait3A_46 = arith.constant 0 : i32
    %dma_wait3A_47 = arith.constant 0 : i32
    %dma_wait3A_48 = tpu.memref_slice %arg2[%dma_wait3A_46, %dma_wait3A_47] : memref<8192x64xf32, #tpu.memory_space<hbm>> -> memref<8192x64xf32, #tpu.memory_space<hbm>>
    tpu.wait_indirect_dma semaphore(%arg7 : memref<!tpu.dma_semaphore, #tpu.memory_space<semaphore_mem>>) src(%dma_wait3A_48 : memref<8192x64xf32, #tpu.memory_space<hbm>>) dst(%dma_wait3A_43 : memref<96x64xf32, #tpu.memory_space<vmem>>)
    "tpu.region"() ({
      %run_scoped3A = tpu.sem_alloc : memref<!tpu.dma_semaphore, #tpu.memory_space<semaphore_mem>>
      %dma_start3A_49 = arith.constant 0 : i32
      %dma_start3A_50 = tpu.memref_slice %arg4[%mul3A_2, %dma_start3A_49] : memref<9216x64xf32, #tpu.memory_space<hbm>> -> memref<288x64xf32, #tpu.memory_space<hbm>>
      %dma_start3A_51 = arith.constant 0 : i32
      %dma_start3A_52 = tpu.memref_slice %arg4[%mul3A_2, %dma_start3A_51] : memref<9216x64xf32, #tpu.memory_space<hbm>> -> memref<288x64xf32, #tpu.memory_space<hbm>>
      tpu.enqueue_dma source(%arg6 : memref<288x64xf32, #tpu.memory_space<vmem>>) target(%dma_start3A_52 : memref<288x64xf32, #tpu.memory_space<hbm>>) target_semaphore(%run_scoped3A : memref<!tpu.dma_semaphore, #tpu.memory_space<semaphore_mem>>)
      %dma_wait3A_53 = arith.constant 0 : i32
      %dma_wait3A_54 = tpu.memref_slice %arg4[%mul3A_2, %dma_wait3A_53] : memref<9216x64xf32, #tpu.memory_space<hbm>> -> memref<288x64xf32, #tpu.memory_space<hbm>>
      %dma_wait3A_55 = arith.constant 0 : i32
      %dma_wait3A_56 = tpu.memref_slice %arg4[%mul3A_2, %dma_wait3A_55] : memref<9216x64xf32, #tpu.memory_space<hbm>> -> memref<288x64xf32, #tpu.memory_space<hbm>>
      tpu.wait_dma2 semaphore(%run_scoped3A : memref<!tpu.dma_semaphore, #tpu.memory_space<semaphore_mem>>) src(%arg6 : memref<288x64xf32, #tpu.memory_space<vmem>>) dst(%dma_wait3A_56 : memref<288x64xf32, #tpu.memory_space<hbm>>)
      tpu.yield
    }) : () -> ()
    return
  }
}

module attributes {stable_mosaic.version = 14 : i64} {
  func.func @_dist_argmin_body(%arg0: i32, %arg1: memref<1024x64xf32, #tpu.memory_space<vmem>>, %arg2: memref<8192x64xf32, #tpu.memory_space<vmem>>, %arg3: memref<1024x1xf32, #tpu.memory_space<vmem>>, %arg4: memref<1x8192xf32, #tpu.memory_space<vmem>>, %arg5: memref<1024xi32, #tpu.memory_space<vmem>>) attributes {dimension_semantics = [#tpu.dimension_semantics<arbitrary>], iteration_bounds = array<i64: 9>, scalar_prefetch = 0 : i64, scratch_operands = 0 : i64, tpu.core_type = #tpu.core_type<tc>, window_params = [{transform_indices = @transform_0, window_bounds = array<i64: 1024, 64>}, {pipeline_mode = #tpu.pipeline_mode<synchronous>, transform_indices = @transform_1, window_bounds = array<i64: 8192, 64>}, {transform_indices = @transform_2, window_bounds = array<i64: 1024, 1>}, {pipeline_mode = #tpu.pipeline_mode<synchronous>, transform_indices = @transform_3, window_bounds = array<i64: 1, 8192>}, {transform_indices = @transform_4, window_bounds = array<i64: 1024>}]} {
    %get3A = arith.constant 0 : index
    %get3A_0 = arith.constant 0 : index
    %get3A_1 = vector.load %arg1[%get3A, %get3A_0] : memref<1024x64xf32, #tpu.memory_space<vmem>>, vector<1024x64xf32>
    %convert_element_type3A = arith.truncf %get3A_1 : vector<1024x64xf32> to vector<1024x64xbf16>
    %get3A_2 = arith.constant 0 : index
    %get3A_3 = arith.constant 0 : index
    %get3A_4 = vector.load %arg2[%get3A_2, %get3A_3] : memref<8192x64xf32, #tpu.memory_space<vmem>>, vector<8192x64xf32>
    %convert_element_type3A_5 = arith.truncf %get3A_4 : vector<8192x64xf32> to vector<8192x64xbf16>
    %dot_general3A = arith.constant dense<0.000000e+00> : vector<1024x8192xf32>
    %dot_general3A_6 = tpu.matmul %convert_element_type3A, %convert_element_type3A_5, %dot_general3A {dimension_numbers = #tpu.dot_dimension_numbers<[1], [1], [0], [0], [0, 0, 1, 0], [], []>, transpose_lhs_hint = false} : vector<1024x64xbf16>, vector<8192x64xbf16>, vector<1024x8192xf32> -> vector<1024x8192xf32>
    %get3A_7 = arith.constant 0 : index
    %get3A_8 = arith.constant 0 : index
    %get3A_9 = vector.load %arg3[%get3A_7, %get3A_8] : memref<1024x1xf32, #tpu.memory_space<vmem>>, vector<1024x1xf32>
    %get3A_10 = arith.constant 0 : index
    %get3A_11 = arith.constant 0 : index
    %get3A_12 = vector.load %arg4[%get3A_10, %get3A_11] : memref<1x8192xf32, #tpu.memory_space<vmem>>, vector<1x8192xf32>
    %add3A = vector.broadcast %get3A_9 : vector<1024x1xf32> to vector<1024x8192xf32>
    %add3A_13 = vector.broadcast %get3A_12 : vector<1x8192xf32> to vector<1024x8192xf32>
    %add3A_14 = arith.addf %add3A, %add3A_13 : vector<1024x8192xf32>
    %mul3A = arith.constant 2.000000e+00 : f32
    %mul3A_15 = vector.broadcast %mul3A : f32 to vector<1024x8192xf32>
    %mul3A_16 = arith.mulf %mul3A_15, %dot_general3A_6 : vector<1024x8192xf32>
    %sub3A = arith.subf %add3A_14, %mul3A_16 : vector<1024x8192xf32>
    %iota3A = tpu.iota {dimensions = array<i32: 1>} : vector<1024x8192xi32>
    %broadcast_in_dim3A = arith.constant 0x7F800000 : f32
    %broadcast_in_dim3A_17 = vector.broadcast %broadcast_in_dim3A : f32 to vector<1024xf32>
    %broadcast_in_dim3A_18 = arith.constant 0 : i32
    %broadcast_in_dim3A_19 = vector.broadcast %broadcast_in_dim3A_18 : i32 to vector<1024xi32>
    %slice3A = vector.extract_strided_slice %sub3A {offsets = [0, 0], sizes = [1024, 2736], strides = [1, 1]} : vector<1024x8192xf32> to vector<1024x2736xf32>
    %reduce_min3A = arith.constant dense<0x7F800000> : vector<1024xf32>
    %reduce_min3A_20 = vector.multi_reduction <minimumf>, %slice3A, %reduce_min3A [1] : vector<1024x2736xf32> to vector<1024xf32>
    %broadcast_in_dim3A_21 = vector.shape_cast %reduce_min3A_20 : vector<1024xf32> to vector<1024x1xf32>
    %eq3A = vector.broadcast %broadcast_in_dim3A_21 : vector<1024x1xf32> to vector<1024x2736xf32>
    %eq3A_22 = arith.cmpf oeq, %slice3A, %eq3A : vector<1024x2736xf32>
    %slice3A_23 = vector.extract_strided_slice %iota3A {offsets = [0, 0], sizes = [1024, 2736], strides = [1, 1]} : vector<1024x8192xi32> to vector<1024x2736xi32>
    %jit3A = arith.constant 1073741824 : i32
    %broadcast_in_dim3A_24 = vector.broadcast %jit3A : i32 to vector<1024x2736xi32>
    %select_n3A = arith.select %eq3A_22, %slice3A_23, %broadcast_in_dim3A_24 : vector<1024x2736xi1>, vector<1024x2736xi32>
    %reduce_min3A_25 = arith.constant dense<2147483647> : vector<1024xi32>
    %reduce_min3A_26 = vector.multi_reduction <minsi>, %select_n3A, %reduce_min3A_25 [1] : vector<1024x2736xi32> to vector<1024xi32>
    %squeeze3A = vector.shape_cast %broadcast_in_dim3A_21 : vector<1024x1xf32> to vector<1024xf32>
    %lt3A = arith.cmpf olt, %squeeze3A, %broadcast_in_dim3A_17 : vector<1024xf32>
    %convert_element_type3A_27 = arith.truncf %squeeze3A : vector<1024xf32> to vector<1024xbf16>
    %convert_element_type3A_28 = arith.extf %convert_element_type3A_27 : vector<1024xbf16> to vector<1024xf32>
    %select_n3A_29 = arith.select %lt3A, %convert_element_type3A_28, %broadcast_in_dim3A_17 : vector<1024xi1>, vector<1024xf32>
    %select_n3A_30 = arith.select %lt3A, %reduce_min3A_26, %broadcast_in_dim3A_19 : vector<1024xi1>, vector<1024xi32>
    %slice3A_31 = vector.extract_strided_slice %sub3A {offsets = [0, 2736], sizes = [1024, 2736], strides = [1, 1]} : vector<1024x8192xf32> to vector<1024x2736xf32>
    %reduce_min3A_32 = arith.constant dense<0x7F800000> : vector<1024xf32>
    %reduce_min3A_33 = vector.multi_reduction <minimumf>, %slice3A_31, %reduce_min3A_32 [1] : vector<1024x2736xf32> to vector<1024xf32>
    %broadcast_in_dim3A_34 = vector.shape_cast %reduce_min3A_33 : vector<1024xf32> to vector<1024x1xf32>
    %eq3A_35 = vector.broadcast %broadcast_in_dim3A_34 : vector<1024x1xf32> to vector<1024x2736xf32>
    %eq3A_36 = arith.cmpf oeq, %slice3A_31, %eq3A_35 : vector<1024x2736xf32>
    %slice3A_37 = vector.extract_strided_slice %iota3A {offsets = [0, 2736], sizes = [1024, 2736], strides = [1, 1]} : vector<1024x8192xi32> to vector<1024x2736xi32>
    %jit3A_38 = arith.constant 1073741824 : i32
    %broadcast_in_dim3A_39 = vector.broadcast %jit3A_38 : i32 to vector<1024x2736xi32>
    %select_n3A_40 = arith.select %eq3A_36, %slice3A_37, %broadcast_in_dim3A_39 : vector<1024x2736xi1>, vector<1024x2736xi32>
    %reduce_min3A_41 = arith.constant dense<2147483647> : vector<1024xi32>
    %reduce_min3A_42 = vector.multi_reduction <minsi>, %select_n3A_40, %reduce_min3A_41 [1] : vector<1024x2736xi32> to vector<1024xi32>
    %squeeze3A_43 = vector.shape_cast %broadcast_in_dim3A_34 : vector<1024x1xf32> to vector<1024xf32>
    %lt3A_44 = arith.cmpf olt, %squeeze3A_43, %select_n3A_29 : vector<1024xf32>
    %convert_element_type3A_45 = arith.truncf %squeeze3A_43 : vector<1024xf32> to vector<1024xbf16>
    %convert_element_type3A_46 = arith.extf %convert_element_type3A_45 : vector<1024xbf16> to vector<1024xf32>
    %select_n3A_47 = arith.select %lt3A_44, %convert_element_type3A_46, %select_n3A_29 : vector<1024xi1>, vector<1024xf32>
    %select_n3A_48 = arith.select %lt3A_44, %reduce_min3A_42, %select_n3A_30 : vector<1024xi1>, vector<1024xi32>
    %slice3A_49 = vector.extract_strided_slice %sub3A {offsets = [0, 5472], sizes = [1024, 2720], strides = [1, 1]} : vector<1024x8192xf32> to vector<1024x2720xf32>
    %reduce_min3A_50 = arith.constant dense<0x7F800000> : vector<1024xf32>
    %reduce_min3A_51 = vector.multi_reduction <minimumf>, %slice3A_49, %reduce_min3A_50 [1] : vector<1024x2720xf32> to vector<1024xf32>
    %broadcast_in_dim3A_52 = vector.shape_cast %reduce_min3A_51 : vector<1024xf32> to vector<1024x1xf32>
    %eq3A_53 = vector.broadcast %broadcast_in_dim3A_52 : vector<1024x1xf32> to vector<1024x2720xf32>
    %eq3A_54 = arith.cmpf oeq, %slice3A_49, %eq3A_53 : vector<1024x2720xf32>
    %slice3A_55 = vector.extract_strided_slice %iota3A {offsets = [0, 5472], sizes = [1024, 2720], strides = [1, 1]} : vector<1024x8192xi32> to vector<1024x2720xi32>
    %jit3A_56 = arith.constant 1073741824 : i32
    %broadcast_in_dim3A_57 = vector.broadcast %jit3A_56 : i32 to vector<1024x2720xi32>
    %select_n3A_58 = arith.select %eq3A_54, %slice3A_55, %broadcast_in_dim3A_57 : vector<1024x2720xi1>, vector<1024x2720xi32>
    %reduce_min3A_59 = arith.constant dense<2147483647> : vector<1024xi32>
    %reduce_min3A_60 = vector.multi_reduction <minsi>, %select_n3A_58, %reduce_min3A_59 [1] : vector<1024x2720xi32> to vector<1024xi32>
    %squeeze3A_61 = vector.shape_cast %broadcast_in_dim3A_52 : vector<1024x1xf32> to vector<1024xf32>
    %lt3A_62 = arith.cmpf olt, %squeeze3A_61, %select_n3A_47 : vector<1024xf32>
    %select_n3A_63 = arith.select %lt3A_62, %reduce_min3A_60, %select_n3A_48 : vector<1024xi1>, vector<1024xi32>
    %swap3A = arith.constant 0 : index
    %swap3A_64 = vector.load %arg5[%swap3A] : memref<1024xi32, #tpu.memory_space<vmem>>, vector<1024xi32>
    tpu.vector_store %arg5[%swap3A], %select_n3A_63 {strides = array<i32>} : memref<1024xi32, #tpu.memory_space<vmem>>, vector<1024xi32>,
    return
  }
  func.func @transform_0(%arg0: i32) -> (i32, i32) {
    %c0_i32 = arith.constant 0 : i32
    %c0_i32_0 = arith.constant 0 : i32
    return %arg0, %c0_i32 : i32, i32
  }
  func.func @transform_1(%arg0: i32) -> (i32, i32) {
    %c0_i32 = arith.constant 0 : i32
    %c0_i32_0 = arith.constant 0 : i32
    %c0_i32_1 = arith.constant 0 : i32
    return %c0_i32, %c0_i32_0 : i32, i32
  }
  func.func @transform_2(%arg0: i32) -> (i32, i32) {
    %c0_i32 = arith.constant 0 : i32
    %c0_i32_0 = arith.constant 0 : i32
    return %arg0, %c0_i32 : i32, i32
  }
  func.func @transform_3(%arg0: i32) -> (i32, i32) {
    %c0_i32 = arith.constant 0 : i32
    %c0_i32_0 = arith.constant 0 : i32
    %c0_i32_1 = arith.constant 0 : i32
    return %c0_i32, %c0_i32_0 : i32, i32
  }
  func.func @transform_4(%arg0: i32) -> i32 {
    %c0_i32 = arith.constant 0 : i32
    return %arg0 : i32
  }
}

</mosaic_0001>

<sc_bundles>
// kernel: kernel.4.cloned.1.call-start
scs
__scs_entry_jumppad:
0x0: {  	(pc) =	sbr.rel $0x88, $3  }
0x1: {  	(tag) =	ssettag $0x0;
	lr =	simm.s32 $0x1  }
0x2: {  	[smem:$0x3F9F] =	sst lr;
	_ =	strace $0xD0000000  }
0x3: {  	_ = 	snop  }
0x4: {  	_ = 	snop  }
0x5: {  	_ = 	snop  }
0x6: {  	_ = 	snop  }
0x7: {  	_ = 	snop  }
__scs_overlays_trampoline_lowered:
0x8: {  	[smem:$0x3FAE] =	sst s0  }
0x9: {  	[smem:$0x3FAF] =	sst s1  }
0xa: {  	[smem:$0x3FB0] =	sst s2  }
0xb: {  	[smem:$0x3FB1] =	sst s3  }
0xc: {  	[smem:$0x3FB2] =	sst s4  }
0xd: {  	[smem:$0x3FB3] =	sst s5  }
0xe: {  	[smem:$0x3FB4] =	sst s6  }
0xf: {  	[smem:$0x3FB5] =	sst s7  }
0x10: {  	[smem:$0x3FB6] =	sst s8  }
0x11: {  	[smem:$0x3FB7] =	sst s9;
	s0 =	simm.s32 @!p0 $0x0  }
0x12: {  	s1 =	sld [smem:$0x3F9D];
	s0 =	simm.s32 @p0 $0x1  }
0x13: {  	[smem:$0x3FB8] =	sst s0;
	s0 =	simm.s32 @!p1 $0x0  }
0x14: {  	s2 =	sld [smem:$0x3F9C];
	s0 =	simm.s32 @p1 $0x1  }
0x15: {  	[smem:$0x3FB9] =	sst s0;
	s0 =	simm.s32 @!p2 $0x0  }
0x16: {  	s3 =	sld [smem:$0x3FDB];
	s0 =	simm.s32 @p2 $0x1  }
0x17: {  	s4 =	simm.s32 $0x1BF5;
	[smem:$0x3FBB] =	sst s0  }
0x18: {  	s0 =	sld [smem:$0x3F9E];
	_ =	swait.ge [sflag:s4], $0x0  }
0x19: {  	s7 =	sld [smem:$0x3F9F]  }
0x1a: {  	s8 =	sadd.s32 $0xFFFFE003, lr  }
0x1b: {  	s9 =	sadd.s32 $0xFFFFFEF7, lr;
	s5 =	simm.s32 $0xFFFFFFFF;
	p2 =	slt.u32 s8, $0xFFFFF086  }
0x1c: {  	p1 =	slt.u32 s9, $0xF7A;
	s5 =	simm.s32 @!p2 $0x0  }
0x1d: {  	s5 =	simm.s32 @p1 $0x1;
	p0 =	seq.s32 s7, s2  }
0x1e: {  	s7 =	smul.u32 @!p0 $0xF7A, s2;
	p2 =	seq.s32 @!p0 s5, $0x0  }
0x1f: {  	s9 =	smul.u32 $0xF7A, s1;
	s8 =	simm.s32 @!p0 $0x1BF5;
	p2 =	por !p2, p0  }
0x20: {  	[sflag:s8] =	ssyncset.s32 @!p0 $0xFFFFF086;
	s6 =	sadd.s32 @!p0 s3, s7;
	s7 =	simm.s32 @!p0 $0x108  }
0x21: {  	s3 =	sadd.s32 s3, s9;
	s6 =	sadd.s32 @!p0 $0x88, s6;
	s7 =	simm.s32 @p2 $0x1082  }
0x22: {  	[simem:s7], [sflag:s8] =	dma.local @!p0 [hbm:s6], $0xF7A  }
0x23: {  	s9 =	sor.u32 $0xD0000000, s2;
	s6 =	simm.s32 $0x108;
	_ =	swait.ge @!p0 [sflag:s8], $0x0  }
0x24: {  	s3 =	sadd.s32 $0x88, s3;
	s6 =	simm.s32 @!p1 $0x1082;
	[sflag:s4] =	ssyncset.s32 $0xFFFFF086  }
0x25: {  	[simem:s6], [sflag:s4] =	dma.local [hbm:s3], $0xF7A  }
0x26: {  	[smem:$0x3F9F] =	sst s1;
	(tag) =	ssettag s2;
	_ =	strace s9  }
0x27: {  	s1 =	sld [smem:$0x3FAF]  }
0x28: {  	s2 =	sld [smem:$0x3FB0]  }
0x29: {  	s4 =	sld [smem:$0x3FB2]  }
0x2a: {  	p0 =	seq.s32 s5, $0x0;
	s5 =	sld [smem:$0x3FB3]  }
0x2b: {  	s6 =	sld [smem:$0x3FB4]  }
0x2c: {  	s7 =	sld [smem:$0x3FB5]  }
0x2d: {  	s3 =	simm.s32 $0x108;
	s8 =	sld [smem:$0x3FB6]  }
0x2e: {  	s3 =	simm.s32 @!p0 $0x1082;
	s9 =	sld [smem:$0x3FB7]  }
0x2f: {  	lr =	sadd.s32 s0, s3;
	s0 =	sld [smem:$0x3FAE]  }
0x30: {  	s3 =	sld [smem:$0x3FB1]  }
0x31: {  	[smem:$0x3FBA] =	sst s10  }
0x32: {  	s10 =	sld [smem:$0x3FB8];
	_ =	sdelay $0x3  }
0x33: {  	p0 =	seq.s32 s10, $0x1;
	s10 =	sld [smem:$0x3FBA];
	_ =	sdelay $0x3  }
0x34: {  	[smem:$0x3FBA] =	sst s10  }
0x35: {  	s10 =	sld [smem:$0x3FB9];
	_ =	sdelay $0x3  }
0x36: {  	p1 =	seq.s32 s10, $0x1;
	s10 =	sld [smem:$0x3FBA];
	_ =	sdelay $0x3  }
0x37: {  	[smem:$0x3FBA] =	sst s10  }
0x38: {  	s10 =	sld [smem:$0x3FBB]  }
0x39: {  	_ = 	snop;
	(pc) =	sbr.ind lr, $3  }
0x3a: {  	_ = 	snop  }
0x3b: {  	_ = 	snop  }
0x3c: {  	p2 =	seq.s32 s10, $0x1;
	s10 =	sld [smem:$0x3FBA]  }
0x3d: {  	_ =	shalt  }
0x3e: {  	_ =	shalt  }
0x3f: {  	_ =	shalt  }
0x40: {  	_ =	shalt  }
0x41: {  	_ =	shalt  }
0x42: {  	_ =	shalt  }
0x43: {  	_ =	shalt  }
0x44: {  	_ =	shalt  }
0x45: {  	_ =	shalt  }
0x46: {  	_ =	shalt  }
0x47: {  	_ =	shalt  }
0x48: {  	_ =	shalt  }
0x49: {  	_ =	shalt  }
0x4a: {  	_ =	shalt  }
0x4b: {  	_ =	shalt  }
0x4c: {  	_ =	shalt  }
0x4d: {  	_ =	shalt  }
0x4e: {  	_ =	shalt  }
0x4f: {  	_ =	shalt  }
0x50: {  	_ =	shalt  }
0x51: {  	_ =	shalt  }
0x52: {  	_ =	shalt  }
0x53: {  	_ =	shalt  }
0x54: {  	_ =	shalt  }
0x55: {  	_ =	shalt  }
0x56: {  	_ =	shalt  }
0x57: {  	_ =	shalt  }
0x58: {  	_ =	shalt  }
0x59: {  	_ =	shalt  }
0x5a: {  	_ =	shalt  }
0x5b: {  	_ =	shalt  }
0x5c: {  	_ =	shalt  }
0x5d: {  	_ =	shalt  }
0x5e: {  	_ =	shalt  }
0x5f: {  	_ =	shalt  }
0x60: {  	_ =	shalt  }
0x61: {  	_ =	shalt  }
0x62: {  	_ =	shalt  }
0x63: {  	_ =	shalt  }
0x64: {  	_ =	shalt  }
0x65: {  	_ =	shalt  }
0x66: {  	_ =	shalt  }
0x67: {  	_ =	shalt  }
0x68: {  	_ =	shalt  }
0x69: {  	_ =	shalt  }
0x6a: {  	_ =	shalt  }
0x6b: {  	_ =	shalt  }
0x6c: {  	_ =	shalt  }
0x6d: {  	_ =	shalt  }
0x6e: {  	_ =	shalt  }
0x6f: {  	_ =	shalt  }
0x70: {  	_ =	shalt  }
0x71: {  	_ =	shalt  }
0x72: {  	_ =	shalt  }
0x73: {  	_ =	shalt  }
0x74: {  	_ =	shalt  }
0x75: {  	_ =	shalt  }
0x76: {  	_ =	shalt  }
0x77: {  	_ =	shalt  }
0x78: {  	_ =	shalt  }
0x79: {  	_ =	shalt  }
0x7a: {  	_ =	shalt  }
0x7b: {  	_ =	shalt  }
0x7c: {  	_ =	shalt  }
0x7d: {  	_ =	shalt  }
0x7e: {  	_ =	shalt  }
0x7f: {  	_ =	shalt  }
0x80: {  	_ =	shalt  }
0x81: {  	_ =	shalt  }
0x82: {  	_ =	shalt  }
0x83: {  	_ =	shalt  }
0x84: {  	_ =	shalt  }
0x85: {  	_ =	shalt  }
0x86: {  	_ =	shalt  }
0x87: {  	_ =	shalt  }
.Lfunc_end0:
.L_simem_size_0:
called_computation_lowered:
.L_overlay_start_0:
0x88: {  	s2 =	sld [smem:$0x3FD9]  }
0x89: {  	s3 =	sld [smem:$0x3FFE];
	_ =	sdelay $0x1  }
0x8a: {  	s1 =	srdreg.scid  }
0x8b: {  	s0 =	sand.u32 $0x1, s1  }
0x8c: {  	s14 =	sshll.u32 s0, $0xA;
	s2 =	sadd.s32 s3, s2  }
0x8d: {  	s2 =	sadd.s32 s2, s14  }
0x8e: {  	[smem:$0x3FC6] =	sst s2  }
0x8f: {  	_ = 	snop  }
0x90: {  	s2 =	sld [smem:$0x3FD0];
	_ =	sdelay $0x2  }
0x91: {  	s15 =	simm.s32 $0xA;
	s4 =	simm.s32 $0x10  }
0x92: {  	[smem:s4], [sflag:s15] =	dma.local [hbm:s2], $0x1  }
0x93: {  	_ =	swait.eq [sflag:s15], $0x1  }
0x94: {  	[sflag:s15] =	ssyncset.done $0x0  }
0x95: {  	s16 =	sld [smem:$0x10];
	[sflag:s15] =	ssyncadd.s32 $0xFFFFFFFF  }
0x96: {  	s17 =	sld [smem:$0x11];
	(tm) =	ssettm $0x1  }
0x97: {  	s18 =	sld [smem:$0x3FFB];
	_ =	sdelay $0x3  }
0x98: {  	_ =	strace s18  }
0x99: {  	s4 =	sld [smem:$0x3FFC];
	_ =	sdelay $0x3  }
0x9a: {  	_ =	strace s4  }
0x9b: {  	s4 =	sld [smem:$0x3FFD];
	_ =	sdelay $0x3  }
0x9c: {  	_ =	strace s4  }
0x9d: {  	_ =	strace $0x8FFFFFFF  }
0x9e: {  	s19 =	sld [smem:$0x3FDB];
	_ =	sdelay $0x1  }
0x9f: {  	s5 =	simm.s32 $_scs_section_size  }
0xa0: {  	s6 =	simm.s32 $_size__tile_overlayer_lowered;
	s7 =	simm.s32 $_tile_overlayer_lowered  }
0xa1: {  	s22 =	simm.s32 $0x1BFF;
	s21 =	sshll.u32 s7, $0x1;
	s4 =	sadd.s32 s5, s19  }
0xa2: {  	s8 =	simm.s32 $0x0;
	s20 =	sshll.u32 s6, $0x1;
	s6 =	sadd.s32 s21, s4  }
0xa3: {  	[timem:s8], [sflag:s22] =	dma.local [hbm:s6], s20  }
0xa4: {  	_ =	swait.ge [sflag:s22], s20  }
0xa5: {  	s5 =	ssub.s32 $0x0, s20;
	[sflag:s22] =	ssyncset.done $0x0  }
0xa6: {  	[sflag:s22] =	ssyncadd.s32 s5;
	_ =	sdelay $0x1  }
0xa7: {  	s23 =	simm.s32 $0x1B8B  }
0xa8: {  	_ =	swait.ge [sflag:s23], $0x1  }
0xa9: {  	[sflag:s23] =	ssyncset.done $0x0  }
0xaa: {  	s25 =	simm.s32 $0x1B8E;
	s24 =	sld [smem:$0x3FFE];
	[sflag:s23] =	ssyncadd.s32 $0xFFFFFFFF  }
0xab: {  	s26 =	simm.s32 $execute0_lowered;
	[smem:$0x3FD2] =	sst s25  }
0xac: {  	s6 =	sshll.u32 s26, $0x1;
	_ =	strace $0x80000046;
	[dreg:$0x1] =	wrdreg $0xFFFFFFFF  }
0xad: {  	s28 =	simm.s32 $_size_execute0_lowered;
	s4 =	sadd.s32 s4, s6;
	[dreg:$0x0] =	wrdreg $0x0  }
0xae: {  	s6 =	sshll.u32 s28, $0x1;
	[dreg:$0x2] =	wrdreg s4  }
0xaf: {  	[dreg:$0x3] =	wrdreg s6  }
0xb0: {  	[dreg:$0x4] =	wrdreg $0xC0  }
0xb1: {  	_ =	task [dreg:s8], $0x5FFFF  }
0xb2: {  	[dreg:$0x1] =	wrdreg $0xFFFFFFFF  }
0xb3: {  	[dreg:$0x0] =	wrdreg $0x60  }
0xb4: {  	[dreg:$0x2] =	wrdreg s16  }
0xb5: {  	[dreg:$0x3] =	wrdreg s17  }
0xb6: {  	[dreg:$0x4] =	wrdreg s24  }
0xb7: {  	[dreg:$0x5] =	wrdreg $0x9  }
0xb8: {  	_ =	task.clear_ibuf [dreg:s8], $0x6FFFF;
	_ =	strace $0x90000046  }
0xb9: {  	s29 =	simm.s32 $0x9;
	_ =	strace $0x80000048  }
0xba: {  	_ =	swait.ge [sflag:s29], $0x1  }
0xbb: {  	[sflag:s29] =	ssyncadd.s32 $0xFFFFFFFF  }
0xbc: {  	_ =	strace $0x90000048  }
0xbd: {  	_ =	sfence  }
0xbe: {  	s30 =	sld [smem:$0x0];
	_ =	sdelay $0x2  }
0xbf: {  	s31 =	sshll.u32 s1, $0xD;
	s1 =	sshrl.u32 s1, $0x2  }
0xc0: {  	s3 =	sand.u32 $0x4000, s31;
	s1 =	sadd.s32 s1, s30  }
0xc1: {  	s0 =	sor.u32 s3, s0;
	s1 =	sshll.u32 s1, $0x11  }
0xc2: {  	s0 =	sor.u32 s1, s0  }
0xc3: {  	s0 =	sadd.s32 $0x8F2B, s0  }
0xc4: {  	[sflag:s0] =	ssyncadd.remote.s32 $0x1  }
0xc5: {  	_ =	sfence.sel $0xFFFF  }
0xc6: {  	[dreg:$0x0] =	wrdreg $0xFFFFFFFF;
	(pc) =	sbr.abs _section_cstart, $3  }
0xc7: {  	[dreg:$0x1] =	wrdreg $0xFFFFFFFF  }
0xc8: {  	_ =	task.clear_ibuf [dreg:s8], $0x2FFFF;
	_ =	strace $0x9FFFFFFF  }
0xc9: {  	(tm) =	ssettm $0x7FFFFFFF  }
tec
execute0_lowered:
.L_overlay_start_1:
0x0: {  	(tag) =	ssettag $0x1  }
0x1: {  	s1 =	rddreg [dreg:$0x0]  }
0x2: {  	s2 =	srdreg.scid;
	s0 =	stileid.u32  }
0x3: {  	s4 =	rddreg [dreg:$0x1];
	s12 =	sand.u32 $0x1, s2;
	s30 =	sshll.u32 s0, $0x1  }
0x4: {  	s13 =	rddreg [dreg:$0x2];
	s14 =	sor.u32 s12, s30  }
0x5: {  	s3 =	simm.s32 $0x0;
	s2 =	rddreg [dreg:$0x3];
	s5 =	smul.u32 $0x24, s14  }
0x6: {  	[smem:$0x7FF] =	sst s3  }
0x7: {  	_ =	strace $0x80000047;
	s5 =	sadd.s32 s4, s5;
	s4 =	simm.s32 $0x2  }
0x8: {  	[tilespmem:s3], [sflag:$0x2] =	stream.linear.gather [hbm4b:s5+s3], $0x120, $0x38;
	[tilespmem:$0x4920] =	vst v63  }
0x9: {  	_ =	swait.ge [sflag:s4], $0x120  }
0xa: {  	[sflag:s4] =	ssyncset.done $0x0  }
0xb: {  	s6 =	simm.s32 $0x60;
	s7 =	simm.s32 $0x120;
	[sflag:s4] =	ssyncadd.s32 $0xFFFFFEE0  }
0xc: {  	[tilespmem:s7], [sflag:$0x1] =	stream.indirect.gather [hbm4b:s1+s6], $0x40, s3, s6, $0xb8;
	[tilespmem:$0x4920] =	vst v63  }
0xd: {  	s8 =	simm.s32 $0x1920  }
0xe: {  	[tilespmem:s8], [sflag:$0x1] =	stream.indirect.gather [hbm4b:s1+s6], $0x40, s6, s6, $0xb8;
	[tilespmem:$0x4920] =	vst v63  }
0xf: {  	s9 =	simm.s32 $0xC0;
	s10 =	simm.s32 $0x3120;
	s11 =	simm.s32 $0x1  }
0x10: {  	[tilespmem:s10], [sflag:$0x1] =	stream.indirect.gather [hbm4b:s1+s6], $0x40, s9, s6, $0xb8;
	[tilespmem:$0x4920] =	vst v63  }
0x11: {  	_ =	swait.ge [sflag:s11], $0x1800  }
0x12: {  	[sflag:s11] =	ssyncset.done $0x0  }
0x13: {  	s12 =	ssub.s32 $0x2, s12;
	[sflag:s11] =	ssyncadd.s32 $0xFFFFE800  }
0x14: {  	s15 =	sshrl.u32 s12, $0x1;
	_ =	swait.ge [sflag:s11], $0x1800  }
0x15: {  	s15 =	ssub.s32 s12, s15;
	[sflag:s11] =	ssyncset.done $0x0  }
0x16: {  	s31 =	smax.u32 s15, $0x1;
	[sflag:s11] =	ssyncadd.s32 $0xFFFFE800  }
0x17: {  	s14 =	smul.u32 $0x900, s14;
	p0 =	sne.s32 s31, $0x1;
	_ =	swait.ge [sflag:s11], $0x1800  }
.Ltmp0:
0x18: {  	[sflag:s11] =	ssyncset.done $0x0;
	(pc) =	sbr.rel @!p0 .LBB2_2-.Ltmp0, $4  }
0x19: {  	s12 =	sadd.s32 s13, s14;
	[sflag:s11] =	ssyncadd.s32 $0xFFFFE800  }
0x1a: {  	[hbm4b:s12+s3] =	stream.linear.scatter [tilespmem:s7], [sflag:$0x2], $0x4800, $0x38;
	[tilespmem:$0x4920] =	vst v63  }
0x1b: {  	_ =	swait.ge [sflag:s4], $0x4800  }
0x1c: {  	s13 =	sadd.s32 $0xFFFFFFFF, s31;
	[sflag:s4] =	ssyncset.done $0x0  }
.LBB2_1:
0x1d: {  	p0 =	sne.s32 s13, $0x1;
	s13 =	sadd.s32 $0xFFFFFFFF, s13;
	[sflag:s4] =	ssyncadd.s32 $0xFFFFB800  }
0x1e: {  	[tilespmem:s3], [sflag:$0x2] =	stream.linear.gather [hbm4b:s5+s3], $0x120, $0x38;
	[tilespmem:$0x4920] =	vst v63  }
0x1f: {  	_ =	swait.ge [sflag:s4], $0x120  }
0x20: {  	[sflag:s4] =	ssyncset.done $0x0  }
0x21: {  	[sflag:s4] =	ssyncadd.s32 $0xFFFFFEE0  }
0x22: {  	[tilespmem:s7], [sflag:$0x1] =	stream.indirect.gather [hbm4b:s1+s6], $0x40, s3, s6, $0xb8;
	[tilespmem:$0x4920] =	vst v63  }
0x23: {  	_ = 	snop  }
0x24: {  	[tilespmem:s8], [sflag:$0x1] =	stream.indirect.gather [hbm4b:s1+s6], $0x40, s6, s6, $0xb8;
	[tilespmem:$0x4920] =	vst v63  }
0x25: {  	_ = 	snop  }
0x26: {  	[tilespmem:s10], [sflag:$0x1] =	stream.indirect.gather [hbm4b:s1+s6], $0x40, s9, s6, $0xb8;
	[tilespmem:$0x4920] =	vst v63  }
0x27: {  	_ =	swait.ge [sflag:s11], $0x1800  }
0x28: {  	[sflag:s11] =	ssyncset.done $0x0  }
0x29: {  	[sflag:s11] =	ssyncadd.s32 $0xFFFFE800  }
0x2a: {  	_ =	swait.ge [sflag:s11], $0x1800  }
0x2b: {  	[sflag:s11] =	ssyncset.done $0x0  }
0x2c: {  	[sflag:s11] =	ssyncadd.s32 $0xFFFFE800  }
0x2d: {  	_ =	swait.ge [sflag:s11], $0x1800  }
.Ltmp1:
0x2e: {  	[sflag:s11] =	ssyncset.done $0x0;
	(pc) =	sbr.rel @p0 .LBB2_1-.Ltmp1, $4  }
0x2f: {  	[sflag:s11] =	ssyncadd.s32 $0xFFFFE800  }
0x30: {  	[hbm4b:s12+s3] =	stream.linear.scatter [tilespmem:s7], [sflag:$0x2], $0x4800, $0x38;
	[tilespmem:$0x4920] =	vst v63  }
0x31: {  	_ =	swait.ge [sflag:s4], $0x4800  }
0x32: {  	[sflag:s4] =	ssyncset.done $0x0  }
.LBB2_2:
0x33: {  	[sflag:s4] =	ssyncadd.s32 $0xFFFFB800  }
0x34: {  	_ =	sfence.sel $0x180000  }
0x35: {  	[bflag:$0x0] =	sbarrier.arrive $0xFFFF  }
0x36: {  	p0 =	sne.s32 s0, $0x0;
	_ =	strace $0x90000047  }
0x37: {  	s0 =	sadd.s32 @!p0 $0x100000, s2;
	[bflag:$0x2] =	sbarrier.arrive $0xFFFF  }
0x38: {  	[sflag:s0] =	ssyncadd.tile.s32 @!p0 $0x1;
	_ =	shalt  }
.Lfunc_end2:
_tile_overlayer_lowered:
.L_overlay_start_2:
0x39: {  	(tag) =	ssettag $0x2  }
0x3a: {  	s0 =	rddreg [dreg:$0x0];
	s2 =	stileid.u32  }
0x3b: {  	s1 =	rddreg [dreg:$0x1];
	p0 =	sne.s32 s2, $0x0  }
0x3c: {  	s3 =	rddreg [dreg:$0x2];
	[bflag:$0x3] =	sbarrier.arrive $0xFFFF;
	s2 =	simm.s32 @!p0 $0x1C02  }
0x3d: {  	[timem:s3], [sflag:s2] =	dma.local @!p0 [hbm:s0], s1  }
0x3e: {  	s0 =	simm.s32 @!p0 $0x2  }
0x3f: {  	_ =	swait.ge @!p0 [sflag:s0], s1  }
0x40: {  	s1 =	ssub.s32 @!p0 $0x0, s1;
	[sflag:s0] =	ssyncset.done @!p0 $0x0  }
0x41: {  	[sflag:s0] =	ssyncadd.s32 @!p0 s1  }
0x42: {  	[bflag:$0x3] =	sbarrier.arrive $0xFFFF  }
0x43: {  	_ =	shalt  }

</sc_bundles>
